<compile_context>
chip_gen: v7x
topology: tpu7x:2x2x1
jax: 0.10.2.dev20260603
libtpu: 0.0.44.dev20260713+nightly
codegen_flags: <defaults>
</compile_context>

<pallas_src>
import jax
import jax.numpy as jnp
from jax import lax
from jax.experimental import pallas as pl
from jax.experimental.pallas import tpu as pltpu
from jax.experimental.pallas import tpu_sc as plsc

_C = 10000
_CP = 10240
_D = 128
_N = 131072
_NC = 2
_NS = 16
_NW = _NC * _NS
_RPW = _N // _NW
_CHUNK = 64
_NCHUNK = _RPW // _CHUNK
_LROWS = 16
_NLBLK = _NCHUNK // _LROWS
_CPT = _CP // _NS
_NCOPY = _CPT // _CHUNK


def _fill(buf, val):
    v16 = jnp.full((16,), val, jnp.float32)

    def row(i, _):
        for j in range(_D // 16):
            buf[i, pl.ds(j * 16, 16)] = v16
        return 0
    lax.fori_loop(0, _CHUNK, row, 0)


def _zero_acc(acc, zbuf, off):
    for k in range(_NCOPY):
        pltpu.sync_copy(zbuf, acc.at[pl.ds(off + k * _CHUNK, _CHUNK)])


def _copy_out(acc, sbuf, out, hoff, off):
    for k in range(_NCOPY):
        pltpu.sync_copy(acc.at[pl.ds(off + k * _CHUNK, _CHUNK)], sbuf)
        pltpu.sync_copy(sbuf, out.at[pl.ds(hoff + k * _CHUNK, _CHUNK)])


def _sc_body(feat_hbm, labels_hbm, out_sums, out_counts,
             acc, fb0, fb1, labels_v, gsem, ssem):
    cid = lax.axis_index("c")
    sid = lax.axis_index("s")
    wid = cid * _NS + sid

    off = sid * _CPT
    hoff = cid * _CP + off
    base = wid * _RPW
    lbase = wid * _NCHUNK

    plsc.subcore_barrier()


def _segment_partials(t_features, labels2d):
    mesh = plsc.VectorSubcoreMesh(core_axis_name="c", subcore_axis_name="s")
    f = pl.kernel(
        _sc_body,
        out_type=(
            jax.ShapeDtypeStruct((_NC * _CP, _D), jnp.float32),
            jax.ShapeDtypeStruct((_NC * _CP, _D), jnp.float32),
        ),
        mesh=mesh,
        scratch_types=[
            pltpu.VMEM_SHARED((_CP, _D), jnp.float32),
            pltpu.VMEM((_CHUNK, _D), jnp.float32),
            pltpu.VMEM((_CHUNK, _D), jnp.float32),
            pltpu.VMEM((_LROWS, _CHUNK), jnp.int32),
            pltpu.SemaphoreType.DMA,
            pltpu.SemaphoreType.DMA,
        ],
    )
    return f(t_features, labels2d)


_ROWS_BLK = 2000
_GRID = _C // _ROWS_BLK


def _tc_body(s0, s1, c0, c1, p, d, out, acc):
    i = pl.program_id(0)

    @pl.when(i == 0)
    def _():
        acc[0] = 0.0
        acc[1] = 0.0

    s = s0[...] + s1[...]
    cntv = c0[:, :1] + c1[:, :1]
    safe = jnp.maximum(cntv, 1.0)
    mean = s / safe
    diff = mean - p[...] - d[...]
    sq = jnp.sum(diff * diff, axis=1, keepdims=True)
    norm = jnp.sqrt(sq)
    present = cntv > 0.0
    acc[0] += jnp.sum(jnp.where(present, norm, 0.0))
    acc[1] += jnp.sum(present.astype(jnp.float32))

    @pl.when(i == _GRID - 1)
    def _():
        out[...] = jnp.full((1, 1), acc[0] / jnp.maximum(acc[1], 1.0),
                            dtype=jnp.float32)


def _finalize(sums, counts, prototypes, delta_phi):
    row_spec = pl.BlockSpec((_ROWS_BLK, _D), lambda i: (i, 0))
    cnt_spec = pl.BlockSpec((_ROWS_BLK, 16), lambda i: (i, 0))
    f = pl.pallas_call(
        _tc_body,
        grid=(_GRID,),
        in_specs=[row_spec, row_spec, cnt_spec, cnt_spec, row_spec, row_spec],
        out_specs=pl.BlockSpec((1, 1), lambda i: (0, 0)),
        out_shape=jax.ShapeDtypeStruct((1, 1), jnp.float32),
        scratch_shapes=[pltpu.SMEM((2,), jnp.float32)],
    )
    out = f(sums[:_CP], sums[_CP:], counts[:_CP, :16], counts[_CP:, :16],
            prototypes, delta_phi)
    return out[0, 0]


@jax.jit
def kernel(t_features, t_pseudo_labels, prototypes, delta_phi):
    labels2d = t_pseudo_labels.reshape(_N // _CHUNK, _CHUNK)
    sums, counts = _segment_partials(t_features, labels2d)
    return _finalize(sums, counts, prototypes, delta_phi)

# --- scband reference (transcript-rebuilt; emitter-appended) ---
"""Pipeline reference for scband-temporal-prototype-manager-32693291057658 (READ-ONLY COPY).

The authoritative reference and input builder live on the scoring server;
editing this copy changes nothing except your own understanding.
"""

import jax, jax.numpy as jnp
import numpy as np

CLASS_NUM = 10000
FEATURE_DIM = 128
N = 131072


def setup_inputs(seed: int = 0) -> dict:
    key = jax.random.key(seed)
    k1, k2, k3, k4 = jax.random.split(key, 4)
    t_features = jax.random.normal(k1, (N, FEATURE_DIM), dtype=jnp.float32)
    t_pseudo_labels = jax.random.randint(k2, (N,), 0, CLASS_NUM, dtype=jnp.int32)
    # learned/buffer parameters sized per init_kwargs
    prototypes = jax.random.normal(k3, (CLASS_NUM, FEATURE_DIM), dtype=jnp.float32)
    delta_phi = jax.random.normal(k4, (CLASS_NUM, FEATURE_DIM), dtype=jnp.float32) * 0.01
    return {
        "t_features": t_features,
        "t_pseudo_labels": t_pseudo_labels,
        "prototypes": prototypes,
        "delta_phi": delta_phi,
    }


def reference(t_features, t_pseudo_labels, prototypes, delta_phi):
    # Faithful vectorization of get_aligned_loss:
    # per-class mean of t_features where labels == i, L2 distance to
    # (prototypes[i] + delta_phi[i]), averaged over classes that appear.
    ones = jnp.ones((t_features.shape[0],), dtype=t_features.dtype)
    sums = jax.ops.segment_sum(t_features, t_pseudo_labels, num_segments=CLASS_NUM)
    counts = jax.ops.segment_sum(ones, t_pseudo_labels, num_segments=CLASS_NUM)
    present = counts > 0
    safe_counts = jnp.maximum(counts, 1.0)
    t_means = sums / safe_counts[:, None]
    target_aligned = prototypes + delta_phi
    diff = t_means - target_aligned
    norms = jnp.sqrt(jnp.sum(diff * diff, axis=1))
    num_present = jnp.maximum(jnp.sum(present.astype(t_features.dtype)), 1.0)
    loss = jnp.sum(jnp.where(present, norms, 0.0)) / num_present
    return loss

if __name__ == "__main__":
    import jax
    _d = setup_inputs()
    print(jax.jit(kernel)(*tuple(_d.values())))

</pallas_src>

<mosaic_0001>
#map = affine_map<(d0, d1) -> (0, 0)>
module attributes {stable_mosaic.version = 14 : i64} {
  func.func @_sc_body(%arg0: i32, %arg1: i32, %arg2: memref<131072x128xf32, #tpu.memory_space<hbm>>, %arg3: memref<2048x64xi32, #tpu.memory_space<hbm>>, %arg4: memref<20480x128xf32, #tpu.memory_space<hbm>>, %arg5: memref<20480x128xf32, #tpu.memory_space<hbm>>, %arg6: memref<10240x128xf32, #tpu.memory_space<vmem_shared>>, %arg7: memref<64x128xf32, #tpu.memory_space<vmem>>, %arg8: memref<64x128xf32, #tpu.memory_space<vmem>>, %arg9: memref<16x64xi32, #tpu.memory_space<vmem>>, %arg10: memref<!tpu.dma_semaphore, #tpu.memory_space<semaphore_mem>>, %arg11: memref<!tpu.dma_semaphore, #tpu.memory_space<semaphore_mem>>) attributes {dimension_semantics = [#tpu.dimension_semantics<core_parallel>, #tpu.dimension_semantics<subcore_parallel>], iteration_bounds = array<i64: 2, 16>, scalar_prefetch = 0 : i64, scratch_operands = 6 : i64, tpu.core_type = #tpu.core_type<sc_vector_subcore>, window_params = [{transform_indices = #map}, {transform_indices = #map}, {transform_indices = #map}, {transform_indices = #map}]} {
    %mul3A = arith.constant 16 : i32
    %mul3A_0 = arith.muli %arg0, %mul3A : i32
    %add3A = arith.addi %mul3A_0, %arg1 : i32
    %mul3A_1 = arith.constant 640 : i32
    %mul3A_2 = arith.muli %arg1, %mul3A_1 : i32
    %mul3A_3 = arith.constant 10240 : i32
    %mul3A_4 = arith.muli %arg0, %mul3A_3 : i32
    %add3A_5 = arith.addi %mul3A_4, %mul3A_2 : i32
    %mul3A_6 = arith.constant 4096 : i32
    %mul3A_7 = arith.muli %add3A, %mul3A_6 : i32
    %mul3A_8 = arith.constant 64 : i32
    %mul3A_9 = arith.muli %add3A, %mul3A_8 : i32
    %barrier3A = arith.constant 0 : index
    tpu.barrier barrier_id(%barrier3A)
    return
  }
}

module attributes {stable_mosaic.version = 14 : i64} {
  func.func @_tc_body(%arg0: i32, %arg1: memref<2000x128xf32, #tpu.memory_space<vmem>>, %arg2: memref<2000x128xf32, #tpu.memory_space<vmem>>, %arg3: memref<2000x16xf32, #tpu.memory_space<vmem>>, %arg4: memref<2000x16xf32, #tpu.memory_space<vmem>>, %arg5: memref<2000x128xf32, #tpu.memory_space<vmem>>, %arg6: memref<2000x128xf32, #tpu.memory_space<vmem>>, %arg7: memref<1x1xf32, #tpu.memory_space<vmem>>, %arg8: memref<2xf32, #tpu.memory_space<smem>>) attributes {dimension_semantics = [#tpu.dimension_semantics<arbitrary>], iteration_bounds = array<i64: 5>, scalar_prefetch = 0 : i64, scratch_operands = 1 : i64, tpu.core_type = #tpu.core_type<tc>, window_params = [{transform_indices = @transform_0, window_bounds = array<i64: 2000, 128>}, {transform_indices = @transform_1, window_bounds = array<i64: 2000, 128>}, {transform_indices = @transform_2, window_bounds = array<i64: 2000, 16>}, {transform_indices = @transform_3, window_bounds = array<i64: 2000, 16>}, {transform_indices = @transform_4, window_bounds = array<i64: 2000, 128>}, {transform_indices = @transform_5, window_bounds = array<i64: 2000, 128>}, {pipeline_mode = #tpu.pipeline_mode<synchronous>, transform_indices = @transform_6, window_bounds = array<i64: 1, 1>}]} {
    %eq3A = arith.constant 0 : i32
    %eq3A_0 = arith.cmpi eq, %arg0, %eq3A : i32
    %convert_element_type3A = arith.extui %eq3A_0 : i1 to i32
    %cond3A = arith.constant 0 : i32
    %cond3A_1 = arith.cmpi ne, %convert_element_type3A, %cond3A : i32
    scf.if %cond3A_1 {
      %swap3A_54 = arith.constant 0.000000e+00 : f32
      %swap3A_55 = arith.constant 0 : index
      %swap3A_56 = memref.load %arg8[%swap3A_55] : memref<2xf32, #tpu.memory_space<smem>>
      memref.store %swap3A_54, %arg8[%swap3A_55] : memref<2xf32, #tpu.memory_space<smem>>
      %swap3A_57 = arith.constant 0.000000e+00 : f32
      %swap3A_58 = arith.constant 1 : index
      %swap3A_59 = memref.load %arg8[%swap3A_58] : memref<2xf32, #tpu.memory_space<smem>>
      memref.store %swap3A_57, %arg8[%swap3A_58] : memref<2xf32, #tpu.memory_space<smem>>
    } else {
    }
    %get3A = arith.constant 0 : index
    %get3A_2 = arith.constant 0 : index
    %get3A_3 = vector.load %arg1[%get3A, %get3A_2] : memref<2000x128xf32, #tpu.memory_space<vmem>>, vector<2000x128xf32>
    %get3A_4 = arith.constant 0 : index
    %get3A_5 = arith.constant 0 : index
    %get3A_6 = vector.load %arg2[%get3A_4, %get3A_5] : memref<2000x128xf32, #tpu.memory_space<vmem>>, vector<2000x128xf32>
    %add3A = arith.addf %get3A_3, %get3A_6 : vector<2000x128xf32>
    %get3A_7 = arith.constant 0 : index
    %get3A_8 = arith.constant 0 : index
    %get3A_9 = vector.load %arg3[%get3A_7, %get3A_8] : memref<2000x16xf32, #tpu.memory_space<vmem>>, vector<2000x1xf32>
    %get3A_10 = arith.constant 0 : index
    %get3A_11 = arith.constant 0 : index
    %get3A_12 = vector.load %arg4[%get3A_10, %get3A_11] : memref<2000x16xf32, #tpu.memory_space<vmem>>, vector<2000x1xf32>
    %add3A_13 = arith.addf %get3A_9, %get3A_12 : vector<2000x1xf32>
    %max3A = arith.constant 1.000000e+00 : f32
    %max3A_14 = vector.broadcast %max3A : f32 to vector<2000x1xf32>
    %max3A_15 = arith.maximumf %add3A_13, %max3A_14 : vector<2000x1xf32>
    %div3A = vector.broadcast %max3A_15 : vector<2000x1xf32> to vector<2000x128xf32>
    %div3A_16 = arith.divf %add3A, %div3A : vector<2000x128xf32>
    %get3A_17 = arith.constant 0 : index
    %get3A_18 = arith.constant 0 : index
    %get3A_19 = vector.load %arg5[%get3A_17, %get3A_18] : memref<2000x128xf32, #tpu.memory_space<vmem>>, vector<2000x128xf32>
    %sub3A = arith.subf %div3A_16, %get3A_19 : vector<2000x128xf32>
    %get3A_20 = arith.constant 0 : index
    %get3A_21 = arith.constant 0 : index
    %get3A_22 = vector.load %arg6[%get3A_20, %get3A_21] : memref<2000x128xf32, #tpu.memory_space<vmem>>, vector<2000x128xf32>
    %sub3A_23 = arith.subf %sub3A, %get3A_22 : vector<2000x128xf32>
    %mul3A = arith.mulf %sub3A_23, %sub3A_23 : vector<2000x128xf32>
    %reduce_sum3A = arith.constant dense<0.000000e+00> : vector<2000xf32>
    %reduce_sum3A_24 = vector.multi_reduction <add>, %mul3A, %reduce_sum3A [1] : vector<2000x128xf32> to vector<2000xf32>
    %broadcast_in_dim3A = vector.shape_cast %reduce_sum3A_24 : vector<2000xf32> to vector<2000x1xf32>
    %sqrt3A = math.sqrt %broadcast_in_dim3A : vector<2000x1xf32>
    %gt3A = arith.constant 0.000000e+00 : f32
    %gt3A_25 = vector.broadcast %gt3A : f32 to vector<2000x1xf32>
    %gt3A_26 = arith.cmpf ogt, %add3A_13, %gt3A_25 : vector<2000x1xf32>
    %get3A_27 = arith.constant 0 : index
    %get3A_28 = memref.load %arg8[%get3A_27] : memref<2xf32, #tpu.memory_space<smem>>
    %jit3A = arith.constant 0.000000e+00 : f32
    %broadcast_in_dim3A_29 = vector.broadcast %jit3A : f32 to vector<2000x1xf32>
    %select_n3A = arith.select %gt3A_26, %sqrt3A, %broadcast_in_dim3A_29 : vector<2000x1xi1>, vector<2000x1xf32>
    %reduce_sum3A_30 = vector.shape_cast %select_n3A : vector<2000x1xf32> to vector<1x2000x1xf32>
    %reduce_sum3A_31 = arith.constant dense<0.000000e+00> : vector<1xf32>
    %reduce_sum3A_32 = vector.multi_reduction <add>, %reduce_sum3A_30, %reduce_sum3A_31 [1, 2] : vector<1x2000x1xf32> to vector<1xf32>
    %reduce_sum3A_33 = vector.shape_cast %reduce_sum3A_32 : vector<1xf32> to vector<1x1x1xf32>
    %reduce_sum3A_34 = vector.extract %reduce_sum3A_33[0, 0, 0] : f32 from vector<1x1x1xf32>
    %add3A_35 = arith.addf %get3A_28, %reduce_sum3A_34 : f32
    %swap3A = arith.constant 0 : index
    %swap3A_36 = memref.load %arg8[%swap3A] : memref<2xf32, #tpu.memory_space<smem>>
    memref.store %add3A_35, %arg8[%swap3A] : memref<2xf32, #tpu.memory_space<smem>>
    %get3A_37 = arith.constant 1 : index
    %get3A_38 = memref.load %arg8[%get3A_37] : memref<2xf32, #tpu.memory_space<smem>>
    %convert_element_type3A_39 = arith.extui %gt3A_26 : vector<2000x1xi1> to vector<2000x1xi32>
    %convert_element_type3A_40 = arith.sitofp %convert_element_type3A_39 : vector<2000x1xi32> to vector<2000x1xf32>
    %reduce_sum3A_41 = vector.shape_cast %convert_element_type3A_40 : vector<2000x1xf32> to vector<1x2000x1xf32>
    %reduce_sum3A_42 = arith.constant dense<0.000000e+00> : vector<1xf32>
    %reduce_sum3A_43 = vector.multi_reduction <add>, %reduce_sum3A_41, %reduce_sum3A_42 [1, 2] : vector<1x2000x1xf32> to vector<1xf32>
    %reduce_sum3A_44 = vector.shape_cast %reduce_sum3A_43 : vector<1xf32> to vector<1x1x1xf32>
    %reduce_sum3A_45 = vector.extract %reduce_sum3A_44[0, 0, 0] : f32 from vector<1x1x1xf32>
    %add3A_46 = arith.addf %get3A_38, %reduce_sum3A_45 : f32
    %swap3A_47 = arith.constant 1 : index
    %swap3A_48 = memref.load %arg8[%swap3A_47] : memref<2xf32, #tpu.memory_space<smem>>
    memref.store %add3A_46, %arg8[%swap3A_47] : memref<2xf32, #tpu.memory_space<smem>>
    %eq3A_49 = arith.constant 4 : i32
    %eq3A_50 = arith.cmpi eq, %arg0, %eq3A_49 : i32
    %convert_element_type3A_51 = arith.extui %eq3A_50 : i1 to i32
    %cond3A_52 = arith.constant 0 : i32
    %cond3A_53 = arith.cmpi ne, %convert_element_type3A_51, %cond3A_52 : i32
    scf.if %cond3A_53 {
      %get3A_54 = arith.constant 0 : index
      %get3A_55 = memref.load %arg8[%get3A_54] : memref<2xf32, #tpu.memory_space<smem>>
      %get3A_56 = arith.constant 1 : index
      %get3A_57 = memref.load %arg8[%get3A_56] : memref<2xf32, #tpu.memory_space<smem>>
      %max3A_58 = arith.constant 1.000000e+00 : f32
      %max3A_59 = arith.maximumf %get3A_57, %max3A_58 : f32
      %div3A_60 = arith.divf %get3A_55, %max3A_59 : f32
      %broadcast_in_dim3A_61 = vector.broadcast %div3A_60 : f32 to vector<1x1xf32>
      %swap3A_62 = arith.constant 0 : index
      %swap3A_63 = arith.constant 0 : index
      %swap3A_64 = vector.load %arg7[%swap3A_62, %swap3A_63] : memref<1x1xf32, #tpu.memory_space<vmem>>, vector<1x1xf32>
      tpu.vector_store %arg7[%swap3A_62, %swap3A_63], %broadcast_in_dim3A_61 {strides = array<i32>} : memref<1x1xf32, #tpu.memory_space<vmem>>, vector<1x1xf32>,
    } else {
    }
    return
  }
  func.func @transform_0(%arg0: i32) -> (i32, i32) {
    %c0_i32 = arith.constant 0 : i32
    %c0_i32_0 = arith.constant 0 : i32
    return %arg0, %c0_i32 : i32, i32
  }
  func.func @transform_1(%arg0: i32) -> (i32, i32) {
    %c0_i32 = arith.constant 0 : i32
    %c0_i32_0 = arith.constant 0 : i32
    return %arg0, %c0_i32 : i32, i32
  }
  func.func @transform_2(%arg0: i32) -> (i32, i32) {
    %c0_i32 = arith.constant 0 : i32
    %c0_i32_0 = arith.constant 0 : i32
    return %arg0, %c0_i32 : i32, i32
  }
  func.func @transform_3(%arg0: i32) -> (i32, i32) {
    %c0_i32 = arith.constant 0 : i32
    %c0_i32_0 = arith.constant 0 : i32
    return %arg0, %c0_i32 : i32, i32
  }
  func.func @transform_4(%arg0: i32) -> (i32, i32) {
    %c0_i32 = arith.constant 0 : i32
    %c0_i32_0 = arith.constant 0 : i32
    return %arg0, %c0_i32 : i32, i32
  }
  func.func @transform_5(%arg0: i32) -> (i32, i32) {
    %c0_i32 = arith.constant 0 : i32
    %c0_i32_0 = arith.constant 0 : i32
    return %arg0, %c0_i32 : i32, i32
  }
  func.func @transform_6(%arg0: i32) -> (i32, i32) {
    %c0_i32 = arith.constant 0 : i32
    %c0_i32_0 = arith.constant 0 : i32
    %c0_i32_1 = arith.constant 0 : i32
    return %c0_i32, %c0_i32_0 : i32, i32
  }
}

</mosaic_0001>

<sc_bundles>
// kernel: kernel.4.cloned.1.call-start
scs
__scs_entry_jumppad:
0x0: {  	(pc) =	sbr.rel $0x88, $3  }
0x1: {  	(tag) =	ssettag $0x0;
	lr =	simm.s32 $0x1  }
0x2: {  	[smem:$0x3F9D] =	sst lr;
	_ =	strace $0xD0000000  }
0x3: {  	_ = 	snop  }
0x4: {  	_ = 	snop  }
0x5: {  	_ = 	snop  }
0x6: {  	_ = 	snop  }
0x7: {  	_ = 	snop  }
__scs_overlays_trampoline_lowered:
0x8: {  	[smem:$0x3FAC] =	sst s0  }
0x9: {  	[smem:$0x3FAD] =	sst s1  }
0xa: {  	[smem:$0x3FAE] =	sst s2  }
0xb: {  	[smem:$0x3FAF] =	sst s3  }
0xc: {  	[smem:$0x3FB0] =	sst s4  }
0xd: {  	[smem:$0x3FB1] =	sst s5  }
0xe: {  	[smem:$0x3FB2] =	sst s6  }
0xf: {  	[smem:$0x3FB3] =	sst s7  }
0x10: {  	[smem:$0x3FB4] =	sst s8  }
0x11: {  	[smem:$0x3FB5] =	sst s9;
	s0 =	simm.s32 @!p0 $0x0  }
0x12: {  	s1 =	sld [smem:$0x3F9B];
	s0 =	simm.s32 @p0 $0x1  }
0x13: {  	[smem:$0x3FB6] =	sst s0;
	s0 =	simm.s32 @!p1 $0x0  }
0x14: {  	s2 =	sld [smem:$0x3F9A];
	s0 =	simm.s32 @p1 $0x1  }
0x15: {  	[smem:$0x3FB7] =	sst s0;
	s0 =	simm.s32 @!p2 $0x0  }
0x16: {  	s3 =	sld [smem:$0x3FDB];
	s0 =	simm.s32 @p2 $0x1  }
0x17: {  	s4 =	simm.s32 $0x1BF5;
	[smem:$0x3FB9] =	sst s0  }
0x18: {  	s0 =	sld [smem:$0x3F9C];
	_ =	swait.ge [sflag:s4], $0x0  }
0x19: {  	s7 =	sld [smem:$0x3F9D]  }
0x1a: {  	s8 =	sadd.s32 $0xFFFFE003, lr  }
0x1b: {  	s9 =	sadd.s32 $0xFFFFFEF7, lr;
	s5 =	simm.s32 $0xFFFFFFFF;
	p2 =	slt.u32 s8, $0xFFFFF086  }
0x1c: {  	p1 =	slt.u32 s9, $0xF7A;
	s5 =	simm.s32 @!p2 $0x0  }
0x1d: {  	s5 =	simm.s32 @p1 $0x1;
	p0 =	seq.s32 s7, s2  }
0x1e: {  	s7 =	smul.u32 @!p0 $0xF7A, s2;
	p2 =	seq.s32 @!p0 s5, $0x0  }
0x1f: {  	s9 =	smul.u32 $0xF7A, s1;
	s8 =	simm.s32 @!p0 $0x1BF5;
	p2 =	por !p2, p0  }
0x20: {  	[sflag:s8] =	ssyncset.s32 @!p0 $0xFFFFF086;
	s6 =	sadd.s32 @!p0 s3, s7;
	s7 =	simm.s32 @!p0 $0x108  }
0x21: {  	s3 =	sadd.s32 s3, s9;
	s6 =	sadd.s32 @!p0 $0x88, s6;
	s7 =	simm.s32 @p2 $0x1082  }
0x22: {  	[simem:s7], [sflag:s8] =	dma.local @!p0 [hbm:s6], $0xF7A  }
0x23: {  	s9 =	sor.u32 $0xD0000000, s2;
	s6 =	simm.s32 $0x108;
	_ =	swait.ge @!p0 [sflag:s8], $0x0  }
0x24: {  	s3 =	sadd.s32 $0x88, s3;
	s6 =	simm.s32 @!p1 $0x1082;
	[sflag:s4] =	ssyncset.s32 $0xFFFFF086  }
0x25: {  	[simem:s6], [sflag:s4] =	dma.local [hbm:s3], $0xF7A  }
0x26: {  	[smem:$0x3F9D] =	sst s1;
	(tag) =	ssettag s2;
	_ =	strace s9  }
0x27: {  	s1 =	sld [smem:$0x3FAD]  }
0x28: {  	s2 =	sld [smem:$0x3FAE]  }
0x29: {  	s4 =	sld [smem:$0x3FB0]  }
0x2a: {  	p0 =	seq.s32 s5, $0x0;
	s5 =	sld [smem:$0x3FB1]  }
0x2b: {  	s6 =	sld [smem:$0x3FB2]  }
0x2c: {  	s7 =	sld [smem:$0x3FB3]  }
0x2d: {  	s3 =	simm.s32 $0x108;
	s8 =	sld [smem:$0x3FB4]  }
0x2e: {  	s3 =	simm.s32 @!p0 $0x1082;
	s9 =	sld [smem:$0x3FB5]  }
0x2f: {  	lr =	sadd.s32 s0, s3;
	s0 =	sld [smem:$0x3FAC]  }
0x30: {  	s3 =	sld [smem:$0x3FAF]  }
0x31: {  	[smem:$0x3FB8] =	sst s10  }
0x32: {  	s10 =	sld [smem:$0x3FB6];
	_ =	sdelay $0x3  }
0x33: {  	p0 =	seq.s32 s10, $0x1;
	s10 =	sld [smem:$0x3FB8];
	_ =	sdelay $0x3  }
0x34: {  	[smem:$0x3FB8] =	sst s10  }
0x35: {  	s10 =	sld [smem:$0x3FB7];
	_ =	sdelay $0x3  }
0x36: {  	p1 =	seq.s32 s10, $0x1;
	s10 =	sld [smem:$0x3FB8];
	_ =	sdelay $0x3  }
0x37: {  	[smem:$0x3FB8] =	sst s10  }
0x38: {  	s10 =	sld [smem:$0x3FB9]  }
0x39: {  	_ = 	snop;
	(pc) =	sbr.ind lr, $3  }
0x3a: {  	_ = 	snop  }
0x3b: {  	_ = 	snop  }
0x3c: {  	p2 =	seq.s32 s10, $0x1;
	s10 =	sld [smem:$0x3FB8]  }
0x3d: {  	_ =	shalt  }
0x3e: {  	_ =	shalt  }
0x3f: {  	_ =	shalt  }
0x40: {  	_ =	shalt  }
0x41: {  	_ =	shalt  }
0x42: {  	_ =	shalt  }
0x43: {  	_ =	shalt  }
0x44: {  	_ =	shalt  }
0x45: {  	_ =	shalt  }
0x46: {  	_ =	shalt  }
0x47: {  	_ =	shalt  }
0x48: {  	_ =	shalt  }
0x49: {  	_ =	shalt  }
0x4a: {  	_ =	shalt  }
0x4b: {  	_ =	shalt  }
0x4c: {  	_ =	shalt  }
0x4d: {  	_ =	shalt  }
0x4e: {  	_ =	shalt  }
0x4f: {  	_ =	shalt  }
0x50: {  	_ =	shalt  }
0x51: {  	_ =	shalt  }
0x52: {  	_ =	shalt  }
0x53: {  	_ =	shalt  }
0x54: {  	_ =	shalt  }
0x55: {  	_ =	shalt  }
0x56: {  	_ =	shalt  }
0x57: {  	_ =	shalt  }
0x58: {  	_ =	shalt  }
0x59: {  	_ =	shalt  }
0x5a: {  	_ =	shalt  }
0x5b: {  	_ =	shalt  }
0x5c: {  	_ =	shalt  }
0x5d: {  	_ =	shalt  }
0x5e: {  	_ =	shalt  }
0x5f: {  	_ =	shalt  }
0x60: {  	_ =	shalt  }
0x61: {  	_ =	shalt  }
0x62: {  	_ =	shalt  }
0x63: {  	_ =	shalt  }
0x64: {  	_ =	shalt  }
0x65: {  	_ =	shalt  }
0x66: {  	_ =	shalt  }
0x67: {  	_ =	shalt  }
0x68: {  	_ =	shalt  }
0x69: {  	_ =	shalt  }
0x6a: {  	_ =	shalt  }
0x6b: {  	_ =	shalt  }
0x6c: {  	_ =	shalt  }
0x6d: {  	_ =	shalt  }
0x6e: {  	_ =	shalt  }
0x6f: {  	_ =	shalt  }
0x70: {  	_ =	shalt  }
0x71: {  	_ =	shalt  }
0x72: {  	_ =	shalt  }
0x73: {  	_ =	shalt  }
0x74: {  	_ =	shalt  }
0x75: {  	_ =	shalt  }
0x76: {  	_ =	shalt  }
0x77: {  	_ =	shalt  }
0x78: {  	_ =	shalt  }
0x79: {  	_ =	shalt  }
0x7a: {  	_ =	shalt  }
0x7b: {  	_ =	shalt  }
0x7c: {  	_ =	shalt  }
0x7d: {  	_ =	shalt  }
0x7e: {  	_ =	shalt  }
0x7f: {  	_ =	shalt  }
0x80: {  	_ =	shalt  }
0x81: {  	_ =	shalt  }
0x82: {  	_ =	shalt  }
0x83: {  	_ =	shalt  }
0x84: {  	_ =	shalt  }
0x85: {  	_ =	shalt  }
0x86: {  	_ =	shalt  }
0x87: {  	_ =	shalt  }
.Lfunc_end0:
.L_simem_size_0:
called_computation_lowered:
.L_overlay_start_0:
0x88: {  	s1 =	sld [smem:$0x3FD9]  }
0x89: {  	s2 =	sld [smem:$0x3FFE];
	_ =	sdelay $0x1  }
0x8a: {  	s3 =	srdreg.scid  }
0x8b: {  	s0 =	sand.u32 $0x1, s3  }
0x8c: {  	s17 =	sshll.u32 s0, $0xA;
	s1 =	sadd.s32 s2, s1  }
0x8d: {  	s1 =	sadd.s32 s1, s17  }
0x8e: {  	[smem:$0x3FC4] =	sst s1  }
0x8f: {  	_ = 	snop  }
0x90: {  	(tm) =	ssettm $0x1  }
0x91: {  	s18 =	sld [smem:$0x3FFB];
	_ =	sdelay $0x3  }
0x92: {  	_ =	strace s18  }
0x93: {  	s1 =	sld [smem:$0x3FFC];
	_ =	sdelay $0x3  }
0x94: {  	_ =	strace s1  }
0x95: {  	s1 =	sld [smem:$0x3FFD];
	_ =	sdelay $0x3  }
0x96: {  	_ =	strace s1  }
0x97: {  	_ =	strace $0x8FFFFFFF  }
0x98: {  	s19 =	sld [smem:$0x3FDB];
	_ =	sdelay $0x1  }
0x99: {  	s20 =	simm.s32 $_scs_section_size  }
0x9a: {  	s4 =	simm.s32 $_size__tile_overlayer_lowered;
	s5 =	simm.s32 $_tile_overlayer_lowered  }
0x9b: {  	s23 =	simm.s32 $0x1BFF;
	s22 =	sshll.u32 s5, $0x1;
	s1 =	sadd.s32 s20, s19  }
0x9c: {  	s6 =	simm.s32 $0x0;
	s21 =	sshll.u32 s4, $0x1;
	s4 =	sadd.s32 s22, s1  }
0x9d: {  	[timem:s6], [sflag:s23] =	dma.local [hbm:s4], s21  }
0x9e: {  	_ =	swait.ge [sflag:s23], s21  }
0x9f: {  	s2 =	ssub.s32 $0x0, s21;
	[sflag:s23] =	ssyncset.done $0x0  }
0xa0: {  	[sflag:s23] =	ssyncadd.s32 s2;
	_ =	sdelay $0x1  }
0xa1: {  	s24 =	simm.s32 $0x1B8B  }
0xa2: {  	_ =	swait.ge [sflag:s24], $0x1  }
0xa3: {  	[sflag:s24] =	ssyncset.done $0x0  }
0xa4: {  	s25 =	simm.s32 $0x1B8E;
	[sflag:s24] =	ssyncadd.s32 $0xFFFFFFFF  }
0xa5: {  	s26 =	simm.s32 $execute0_lowered;
	[smem:$0x3FD2] =	sst s25  }
0xa6: {  	s2 =	sshll.u32 s26, $0x1;
	_ =	strace $0x80000046;
	[dreg:$0x1] =	wrdreg $0xFFFFFFFF  }
0xa7: {  	s28 =	simm.s32 $_size_execute0_lowered;
	s1 =	sadd.s32 s1, s2;
	[dreg:$0x0] =	wrdreg $0x0  }
0xa8: {  	s2 =	sshll.u32 s28, $0x1;
	[dreg:$0x2] =	wrdreg s1  }
0xa9: {  	[dreg:$0x3] =	wrdreg s2  }
0xaa: {  	[dreg:$0x4] =	wrdreg $0xC0  }
0xab: {  	_ =	task [dreg:s6], $0x5FFFF  }
0xac: {  	[dreg:$0x1] =	wrdreg $0xFFFFFFFF  }
0xad: {  	[dreg:$0x0] =	wrdreg $0x60  }
0xae: {  	[dreg:$0x2] =	wrdreg $0x9  }
0xaf: {  	_ =	task.clear_ibuf [dreg:s6], $0x3FFFF;
	_ =	strace $0x90000046  }
0xb0: {  	s29 =	simm.s32 $0x9;
	_ =	strace $0x80000048  }
0xb1: {  	_ =	swait.ge [sflag:s29], $0x1  }
0xb2: {  	[sflag:s29] =	ssyncadd.s32 $0xFFFFFFFF  }
0xb3: {  	_ =	strace $0x90000048  }
0xb4: {  	_ =	sfence  }
0xb5: {  	s30 =	sld [smem:$0x0];
	_ =	sdelay $0x2  }
0xb6: {  	s31 =	sshll.u32 s3, $0xD;
	s3 =	sshrl.u32 s3, $0x2  }
0xb7: {  	s2 =	sand.u32 $0x4000, s31;
	s1 =	sadd.s32 s3, s30  }
0xb8: {  	s0 =	sor.u32 s2, s0;
	s1 =	sshll.u32 s1, $0x11  }
0xb9: {  	s0 =	sor.u32 s1, s0  }
0xba: {  	s0 =	sadd.s32 $0x8F2B, s0  }
0xbb: {  	[sflag:s0] =	ssyncadd.remote.s32 $0x1  }
0xbc: {  	_ =	sfence.sel $0xFFFF  }
0xbd: {  	[dreg:$0x0] =	wrdreg $0xFFFFFFFF;
	(pc) =	sbr.abs _section_cstart, $3  }
0xbe: {  	[dreg:$0x1] =	wrdreg $0xFFFFFFFF  }
0xbf: {  	_ =	task.clear_ibuf [dreg:s6], $0x2FFFF;
	_ =	strace $0x9FFFFFFF  }
0xc0: {  	(tm) =	ssettm $0x7FFFFFFF  }
0xc1: {  	_ =	shalt  }
tec
execute0_lowered:
.L_overlay_start_1:
0x0: {  	(tag) =	ssettag $0x1  }
0x1: {  	s0 =	srdreg.scid  }
0x2: {  	s0 =	sand.u32 $0x1, s0  }
0x3: {  	s0 =	ssub.s32 $0x2, s0  }
0x4: {  	s1 =	sshrl.u32 s0, $0x1  }
0x5: {  	s0 =	ssub.s32 s0, s1  }
0x6: {  	s2 =	smax.u32 s0, $0x1  }
0x7: {  	p0 =	sne.s32 s2, $0x1  }
.Ltmp0:
0x8: {  	_ = 	snop;
	(pc) =	sbr.rel @!p0 .LBB2_2-.Ltmp0, $3  }
0x9: {  	_ =	sdelay $0x1  }
0xa: {  	s1 =	stileid.u32  }
0xb: {  	s0 =	rddreg [dreg:$0x0];
	_ =	strace $0x80000047;
	s2 =	sadd.s32 $0xFFFFFFFF, s2  }
.LBB2_1:
0xc: {  	p0 =	sne.s32 s2, $0x1  }
.Ltmp1:
0xd: {  	_ = 	snop;
	(pc) =	sbr.rel @p0 .LBB2_1-.Ltmp1, $3  }
0xe: {  	_ =	sdelay $0x1  }
0xf: {  	[bflag:$0x0] =	sbarrier.arrive $0xFFFF  }
0x10: {  	s2 =	sadd.s32 $0xFFFFFFFF, s2  }
.LBB2_2:
0x11: {  	[bflag:$0x0] =	sbarrier.arrive $0xFFFF  }
0x12: {  	_ =	sfence.sel $0x180000  }
0x13: {  	[bflag:$0x0] =	sbarrier.arrive $0xFFFF  }
0x14: {  	p0 =	sne.s32 s1, $0x0;
	_ =	strace $0x90000047  }
0x15: {  	s0 =	sadd.s32 @!p0 $0x100000, s0;
	[bflag:$0x2] =	sbarrier.arrive $0xFFFF  }
0x16: {  	[sflag:s0] =	ssyncadd.tile.s32 @!p0 $0x1;
	_ =	shalt  }
.Lfunc_end2:
_tile_overlayer_lowered:
.L_overlay_start_2:
0x17: {  	(tag) =	ssettag $0x2  }
0x18: {  	s0 =	rddreg [dreg:$0x0];
	s2 =	stileid.u32  }
0x19: {  	s1 =	rddreg [dreg:$0x1];
	p0 =	sne.s32 s2, $0x0  }
0x1a: {  	s3 =	rddreg [dreg:$0x2];
	[bflag:$0x3] =	sbarrier.arrive $0xFFFF;
	s2 =	simm.s32 @!p0 $0x1C01  }
0x1b: {  	[timem:s3], [sflag:s2] =	dma.local @!p0 [hbm:s0], s1  }
0x1c: {  	s0 =	simm.s32 @!p0 $0x1  }
0x1d: {  	_ =	swait.ge @!p0 [sflag:s0], s1  }
0x1e: {  	s1 =	ssub.s32 @!p0 $0x0, s1;
	[sflag:s0] =	ssyncset.done @!p0 $0x0  }
0x1f: {  	[sflag:s0] =	ssyncadd.s32 @!p0 s1  }
0x20: {  	[bflag:$0x3] =	sbarrier.arrive $0xFFFF  }
0x21: {  	_ =	shalt  }

</sc_bundles>
